<compile_context>
chip_gen: v7x
topology: tpu7x:2x2x1
jax: 0.10.2.dev20260603
libtpu: 0.0.44.dev20260713+nightly
codegen_flags: <defaults>
</compile_context>

<pallas_src>
import functools

import jax
import jax.numpy as jnp
from jax import lax
from jax.experimental import pallas as pl
from jax.experimental.pallas import tpu as pltpu
from jax.experimental.pallas import tpu_sc as plsc

VOCAB = 1_000_000
VOCAB_PAD = 1_000_448
D = 16
B = 16384
L = 200

NC = 2
NS = 16
NW = NC * NS

GPT = (B // 16) // NW
RPG = L * 16 // 128
RPT = GPT * RPG
CHG = 8
NCH = GPT // CHG
CHR = CHG * RPG


_A_ROWS = 125_000
_A_ROWS_PAD = VOCAB_PAD // 8
_A_BLK = 5_000
_A_GRID = _A_ROWS // _A_BLK


def _tv_body(t_ref, w_ref, b_ref, o_ref):
    acc = jnp.dot(t_ref[...], w_ref[...], preferred_element_type=jnp.float32)
    o_ref[...] = (acc + b_ref[0, 0]) * (1.0 / L)


def _compute_tv(table, W, b):
    w = W[:, 0]
    wb = (jnp.eye(8, dtype=jnp.float32)[:, None, :] * w[None, :, None])
    wb = wb.reshape(128, 8)
    tv2 = pl.pallas_call(
        _tv_body,
        grid=(_A_GRID,),
        in_specs=[
            pl.BlockSpec((_A_BLK, 128), lambda i: (i, 0)),
            pl.BlockSpec((128, 8), lambda i: (0, 0)),
            pl.BlockSpec(memory_space=pltpu.SMEM),
        ],
        out_specs=pl.BlockSpec((_A_BLK, 8), lambda i: (i, 0)),
        out_shape=jax.ShapeDtypeStruct((_A_ROWS_PAD, 8), jnp.float32),
    )(table.reshape(_A_ROWS, 128), wb, b.reshape(1, 1))
    return tv2.reshape(VOCAB_PAD)




def _transpose_x(x):
    xt = jnp.swapaxes(x.reshape(B // 16, 16, L), 1, 2)
    return xt.reshape(B * L)



_mesh = plsc.VectorSubcoreMesh(
    core_axis_name="c", subcore_axis_name="s", num_cores=NC, num_subcores=NS)


@functools.partial(
    pl.kernel,
    out_type=jax.ShapeDtypeStruct((B // 16, 16), jnp.float32),
    mesh=_mesh,
    scratch_types=[
        pltpu.VMEM_SHARED((VOCAB_PAD,), jnp.float32),
        pltpu.VMEM((CHR * 128,), jnp.int32),
        pltpu.VMEM((CHR * 128,), jnp.float32),
        pltpu.VMEM((GPT, 16), jnp.float32),
        pltpu.SemaphoreType.DMA,
    ],
)
def _sc_pool(tv_hbm, xt_hbm, out_hbm, tv_sp, idx_v, vals_v, out_v, sem):
    c = lax.axis_index("c")
    s = lax.axis_index("s")
    wid = s * NC + c

    off0 = s * (VOCAB_PAD // 16)
    for off, n in ((0, CHR * 128), (CHR * 128, CHR * 128),
                   (2 * CHR * 128, VOCAB_PAD // 16 - 2 * CHR * 128)):
        pltpu.sync_copy(tv_hbm.at[pl.ds(off0 + off, n)], vals_v.at[pl.ds(0, n)])
        pltpu.sync_copy(vals_v.at[pl.ds(0, n)], tv_sp.at[pl.ds(off0 + off, n)])

    plsc.subcore_barrier()

    def chunk_body(ch, carry):
        w0 = (wid * RPT + ch * CHR) * 128
        pltpu.sync_copy(xt_hbm.at[pl.ds(w0, CHR * 128)], idx_v)

        def g_issue(t, cr):
            pltpu.async_copy(
                tv_sp.at[idx_v.at[pl.ds(t * 128, 128)]],
                vals_v.at[pl.ds(t * 128, 128)], sem)
            return cr

        lax.fori_loop(0, CHR, g_issue, 0)
        pltpu.make_async_copy(
            tv_hbm.at[pl.ds(0, CHR * 128)], vals_v, sem).wait()

        def red_g(g, cr):
            base = g * RPG * 128

            def red_t(t, acc):
                r = base + t * 128
                for u in range(8):
                    acc = acc + vals_v[pl.ds(r + u * 16, 16)]
                return acc

            acc = lax.fori_loop(0, RPG, red_t, jnp.zeros((16,), jnp.float32))
            sig = 1.0 / (1.0 + jnp.exp(-acc))
            out_v[ch * CHG + g] = sig
            return cr

        lax.fori_loop(0, CHG, red_g, 0)
        return carry

    lax.fori_loop(0, NCH, chunk_body, 0)

    pltpu.sync_copy(out_v, out_hbm.at[pl.ds(wid * GPT, GPT), :])


def kernel(x, table, W, b):
    xt = _transpose_x(x)
    tv = _compute_tv(table, W, b)
    out = _sc_pool(tv, xt)
    return out.reshape(B, 1)

# --- scband reference (transcript-rebuilt; emitter-appended) ---
"""Pipeline reference for scband-solution-87960930222112 (READ-ONLY COPY).

The authoritative reference and input builder live on the scoring server;
editing this copy changes nothing except your own understanding.
"""

import jax, jax.numpy as jnp
import numpy as np

VOCAB = 1000000
EMBED_DIM = 16
BATCH = 16384
HIST = 200

def setup_inputs(seed: int = 0) -> dict:
    key = jax.random.key(seed)
    k1, k2, k3, k4 = jax.random.split(key, 4)
    x = jax.random.randint(k1, (BATCH, HIST), 0, VOCAB, dtype=jnp.int64 if jax.config.jax_enable_x64 else jnp.int32)
    table = jax.random.normal(k2, (VOCAB, EMBED_DIM), dtype=jnp.float32)
    W = jax.random.normal(k3, (EMBED_DIM, 1), dtype=jnp.float32) * (1.0 / np.sqrt(EMBED_DIM))
    b = jax.random.normal(k4, (1,), dtype=jnp.float32) * 0.01
    return {"x": x, "table": table, "W": W, "b": b}

def reference(x, table, W, b):
    # nn.Embedding lookup -> gather
    embedded = jnp.take(table, x, axis=0)          # [B, L, D]
    embedded_averaged = jnp.mean(embedded, axis=1)  # [B, D]
    logits = embedded_averaged @ W + b              # [B, 1]
    return jax.nn.sigmoid(logits)

if __name__ == "__main__":
    import jax
    _d = setup_inputs()
    print(jax.jit(kernel)(*tuple(_d.values())))

</pallas_src>

<mosaic_0001>
#map = affine_map<(d0, d1) -> (0)>
#map1 = affine_map<(d0, d1) -> (0, 0)>
module attributes {stable_mosaic.version = 14 : i64} {
  func.func @_sc_pool(%arg0: i32, %arg1: i32, %arg2: memref<1000448xf32, #tpu.memory_space<hbm>>, %arg3: memref<3276800xi32, #tpu.memory_space<hbm>>, %arg4: memref<1024x16xf32, #tpu.memory_space<hbm>>, %arg5: memref<1000448xf32, #tpu.memory_space<vmem_shared>>, %arg6: memref<25600xi32, #tpu.memory_space<vmem>>, %arg7: memref<25600xf32, #tpu.memory_space<vmem>>, %arg8: memref<32x16xf32, #tpu.memory_space<vmem>>, %arg9: memref<!tpu.dma_semaphore, #tpu.memory_space<semaphore_mem>>) attributes {dimension_semantics = [#tpu.dimension_semantics<core_parallel>, #tpu.dimension_semantics<subcore_parallel>], iteration_bounds = array<i64: 2, 16>, scalar_prefetch = 0 : i64, scratch_operands = 5 : i64, tpu.core_type = #tpu.core_type<sc_vector_subcore>, window_params = [{transform_indices = #map}, {transform_indices = #map}, {transform_indices = #map1}]} {
    %mul3A = arith.constant 2 : i32
    %mul3A_0 = arith.muli %arg1, %mul3A : i32
    %add3A = arith.addi %mul3A_0, %arg0 : i32
    %mul3A_1 = arith.constant 62528 : i32
    %mul3A_2 = arith.muli %arg1, %mul3A_1 : i32
    %add3A_3 = arith.constant 0 : i32
    %add3A_4 = arith.addi %mul3A_2, %add3A_3 : i32
    "tpu.region"() ({
      %run_scoped3A = tpu.sem_alloc : memref<!tpu.dma_semaphore, #tpu.memory_space<semaphore_mem>>
      %dma_start3A = arith.constant 0 : i32
      %dma_start3A_22 = tpu.memref_slice %arg7[%dma_start3A] : memref<25600xf32, #tpu.memory_space<vmem>> -> memref<25600xf32, #tpu.memory_space<vmem>>
      %dma_start3A_23 = tpu.memref_slice %arg2[%add3A_4] : memref<1000448xf32, #tpu.memory_space<hbm>> -> memref<25600xf32, #tpu.memory_space<hbm>>
      %dma_start3A_24 = arith.constant 0 : i32
      %dma_start3A_25 = tpu.memref_slice %arg7[%dma_start3A_24] : memref<25600xf32, #tpu.memory_space<vmem>> -> memref<25600xf32, #tpu.memory_space<vmem>>
      %dma_start3A_26 = tpu.memref_slice %arg2[%add3A_4] : memref<1000448xf32, #tpu.memory_space<hbm>> -> memref<25600xf32, #tpu.memory_space<hbm>>
      tpu.enqueue_dma source(%dma_start3A_26 : memref<25600xf32, #tpu.memory_space<hbm>>) target(%dma_start3A_25 : memref<25600xf32, #tpu.memory_space<vmem>>) target_semaphore(%run_scoped3A : memref<!tpu.dma_semaphore, #tpu.memory_space<semaphore_mem>>)
      %dma_wait3A = arith.constant 0 : i32
      %dma_wait3A_27 = tpu.memref_slice %arg7[%dma_wait3A] : memref<25600xf32, #tpu.memory_space<vmem>> -> memref<25600xf32, #tpu.memory_space<vmem>>
      %dma_wait3A_28 = tpu.memref_slice %arg2[%add3A_4] : memref<1000448xf32, #tpu.memory_space<hbm>> -> memref<25600xf32, #tpu.memory_space<hbm>>
      %dma_wait3A_29 = arith.constant 0 : i32
      %dma_wait3A_30 = tpu.memref_slice %arg7[%dma_wait3A_29] : memref<25600xf32, #tpu.memory_space<vmem>> -> memref<25600xf32, #tpu.memory_space<vmem>>
      %dma_wait3A_31 = tpu.memref_slice %arg2[%add3A_4] : memref<1000448xf32, #tpu.memory_space<hbm>> -> memref<25600xf32, #tpu.memory_space<hbm>>
      tpu.wait_dma2 semaphore(%run_scoped3A : memref<!tpu.dma_semaphore, #tpu.memory_space<semaphore_mem>>) src(%dma_wait3A_31 : memref<25600xf32, #tpu.memory_space<hbm>>) dst(%dma_wait3A_30 : memref<25600xf32, #tpu.memory_space<vmem>>)
      tpu.yield
    }) : () -> ()
    %add3A_5 = arith.constant 0 : i32
    %add3A_6 = arith.addi %mul3A_2, %add3A_5 : i32
    "tpu.region"() ({
      %run_scoped3A = tpu.sem_alloc : memref<!tpu.dma_semaphore, #tpu.memory_space<semaphore_mem>>
      %dma_start3A = arith.constant 0 : i32
      %dma_start3A_22 = tpu.memref_slice %arg7[%dma_start3A] : memref<25600xf32, #tpu.memory_space<vmem>> -> memref<25600xf32, #tpu.memory_space<vmem>>
      %dma_start3A_23 = tpu.memref_slice %arg5[%add3A_6] : memref<1000448xf32, #tpu.memory_space<vmem_shared>> -> memref<25600xf32, #tpu.memory_space<vmem_shared>>
      %dma_start3A_24 = tpu.memref_slice %arg5[%add3A_6] : memref<1000448xf32, #tpu.memory_space<vmem_shared>> -> memref<25600xf32, #tpu.memory_space<vmem_shared>>
      %dma_start3A_25 = arith.constant 0 : i32
      %dma_start3A_26 = tpu.memref_slice %arg7[%dma_start3A_25] : memref<25600xf32, #tpu.memory_space<vmem>> -> memref<25600xf32, #tpu.memory_space<vmem>>
      tpu.enqueue_dma source(%dma_start3A_26 : memref<25600xf32, #tpu.memory_space<vmem>>) target(%dma_start3A_24 : memref<25600xf32, #tpu.memory_space<vmem_shared>>) target_semaphore(%run_scoped3A : memref<!tpu.dma_semaphore, #tpu.memory_space<semaphore_mem>>)
      %dma_wait3A = arith.constant 0 : i32
      %dma_wait3A_27 = tpu.memref_slice %arg7[%dma_wait3A] : memref<25600xf32, #tpu.memory_space<vmem>> -> memref<25600xf32, #tpu.memory_space<vmem>>
      %dma_wait3A_28 = tpu.memref_slice %arg5[%add3A_6] : memref<1000448xf32, #tpu.memory_space<vmem_shared>> -> memref<25600xf32, #tpu.memory_space<vmem_shared>>
      %dma_wait3A_29 = tpu.memref_slice %arg5[%add3A_6] : memref<1000448xf32, #tpu.memory_space<vmem_shared>> -> memref<25600xf32, #tpu.memory_space<vmem_shared>>
      %dma_wait3A_30 = arith.constant 0 : i32
      %dma_wait3A_31 = tpu.memref_slice %arg7[%dma_wait3A_30] : memref<25600xf32, #tpu.memory_space<vmem>> -> memref<25600xf32, #tpu.memory_space<vmem>>
      tpu.wait_dma2 semaphore(%run_scoped3A : memref<!tpu.dma_semaphore, #tpu.memory_space<semaphore_mem>>) src(%dma_wait3A_31 : memref<25600xf32, #tpu.memory_space<vmem>>) dst(%dma_wait3A_29 : memref<25600xf32, #tpu.memory_space<vmem_shared>>)
      tpu.yield
    }) : () -> ()
    %add3A_7 = arith.constant 25600 : i32
    %add3A_8 = arith.addi %mul3A_2, %add3A_7 : i32
    "tpu.region"() ({
      %run_scoped3A = tpu.sem_alloc : memref<!tpu.dma_semaphore, #tpu.memory_space<semaphore_mem>>
      %dma_start3A = arith.constant 0 : i32
      %dma_start3A_22 = tpu.memref_slice %arg7[%dma_start3A] : memref<25600xf32, #tpu.memory_space<vmem>> -> memref<25600xf32, #tpu.memory_space<vmem>>
      %dma_start3A_23 = tpu.memref_slice %arg2[%add3A_8] : memref<1000448xf32, #tpu.memory_space<hbm>> -> memref<25600xf32, #tpu.memory_space<hbm>>
      %dma_start3A_24 = arith.constant 0 : i32
      %dma_start3A_25 = tpu.memref_slice %arg7[%dma_start3A_24] : memref<25600xf32, #tpu.memory_space<vmem>> -> memref<25600xf32, #tpu.memory_space<vmem>>
      %dma_start3A_26 = tpu.memref_slice %arg2[%add3A_8] : memref<1000448xf32, #tpu.memory_space<hbm>> -> memref<25600xf32, #tpu.memory_space<hbm>>
      tpu.enqueue_dma source(%dma_start3A_26 : memref<25600xf32, #tpu.memory_space<hbm>>) target(%dma_start3A_25 : memref<25600xf32, #tpu.memory_space<vmem>>) target_semaphore(%run_scoped3A : memref<!tpu.dma_semaphore, #tpu.memory_space<semaphore_mem>>)
      %dma_wait3A = arith.constant 0 : i32
      %dma_wait3A_27 = tpu.memref_slice %arg7[%dma_wait3A] : memref<25600xf32, #tpu.memory_space<vmem>> -> memref<25600xf32, #tpu.memory_space<vmem>>
      %dma_wait3A_28 = tpu.memref_slice %arg2[%add3A_8] : memref<1000448xf32, #tpu.memory_space<hbm>> -> memref<25600xf32, #tpu.memory_space<hbm>>
      %dma_wait3A_29 = arith.constant 0 : i32
      %dma_wait3A_30 = tpu.memref_slice %arg7[%dma_wait3A_29] : memref<25600xf32, #tpu.memory_space<vmem>> -> memref<25600xf32, #tpu.memory_space<vmem>>
      %dma_wait3A_31 = tpu.memref_slice %arg2[%add3A_8] : memref<1000448xf32, #tpu.memory_space<hbm>> -> memref<25600xf32, #tpu.memory_space<hbm>>
      tpu.wait_dma2 semaphore(%run_scoped3A : memref<!tpu.dma_semaphore, #tpu.memory_space<semaphore_mem>>) src(%dma_wait3A_31 : memref<25600xf32, #tpu.memory_space<hbm>>) dst(%dma_wait3A_30 : memref<25600xf32, #tpu.memory_space<vmem>>)
      tpu.yield
    }) : () -> ()
    %add3A_9 = arith.constant 25600 : i32
    %add3A_10 = arith.addi %mul3A_2, %add3A_9 : i32
    "tpu.region"() ({
      %run_scoped3A = tpu.sem_alloc : memref<!tpu.dma_semaphore, #tpu.memory_space<semaphore_mem>>
      %dma_start3A = arith.constant 0 : i32
      %dma_start3A_22 = tpu.memref_slice %arg7[%dma_start3A] : memref<25600xf32, #tpu.memory_space<vmem>> -> memref<25600xf32, #tpu.memory_space<vmem>>
      %dma_start3A_23 = tpu.memref_slice %arg5[%add3A_10] : memref<1000448xf32, #tpu.memory_space<vmem_shared>> -> memref<25600xf32, #tpu.memory_space<vmem_shared>>
      %dma_start3A_24 = tpu.memref_slice %arg5[%add3A_10] : memref<1000448xf32, #tpu.memory_space<vmem_shared>> -> memref<25600xf32, #tpu.memory_space<vmem_shared>>
      %dma_start3A_25 = arith.constant 0 : i32
      %dma_start3A_26 = tpu.memref_slice %arg7[%dma_start3A_25] : memref<25600xf32, #tpu.memory_space<vmem>> -> memref<25600xf32, #tpu.memory_space<vmem>>
      tpu.enqueue_dma source(%dma_start3A_26 : memref<25600xf32, #tpu.memory_space<vmem>>) target(%dma_start3A_24 : memref<25600xf32, #tpu.memory_space<vmem_shared>>) target_semaphore(%run_scoped3A : memref<!tpu.dma_semaphore, #tpu.memory_space<semaphore_mem>>)
      %dma_wait3A = arith.constant 0 : i32
      %dma_wait3A_27 = tpu.memref_slice %arg7[%dma_wait3A] : memref<25600xf32, #tpu.memory_space<vmem>> -> memref<25600xf32, #tpu.memory_space<vmem>>
      %dma_wait3A_28 = tpu.memref_slice %arg5[%add3A_10] : memref<1000448xf32, #tpu.memory_space<vmem_shared>> -> memref<25600xf32, #tpu.memory_space<vmem_shared>>
      %dma_wait3A_29 = tpu.memref_slice %arg5[%add3A_10] : memref<1000448xf32, #tpu.memory_space<vmem_shared>> -> memref<25600xf32, #tpu.memory_space<vmem_shared>>
      %dma_wait3A_30 = arith.constant 0 : i32
      %dma_wait3A_31 = tpu.memref_slice %arg7[%dma_wait3A_30] : memref<25600xf32, #tpu.memory_space<vmem>> -> memref<25600xf32, #tpu.memory_space<vmem>>
      tpu.wait_dma2 semaphore(%run_scoped3A : memref<!tpu.dma_semaphore, #tpu.memory_space<semaphore_mem>>) src(%dma_wait3A_31 : memref<25600xf32, #tpu.memory_space<vmem>>) dst(%dma_wait3A_29 : memref<25600xf32, #tpu.memory_space<vmem_shared>>)
      tpu.yield
    }) : () -> ()
    %add3A_11 = arith.constant 51200 : i32
    %add3A_12 = arith.addi %mul3A_2, %add3A_11 : i32
    "tpu.region"() ({
      %run_scoped3A = tpu.sem_alloc : memref<!tpu.dma_semaphore, #tpu.memory_space<semaphore_mem>>
      %dma_start3A = arith.constant 0 : i32
      %dma_start3A_22 = tpu.memref_slice %arg7[%dma_start3A] : memref<25600xf32, #tpu.memory_space<vmem>> -> memref<11328xf32, #tpu.memory_space<vmem>>
      %dma_start3A_23 = tpu.memref_slice %arg2[%add3A_12] : memref<1000448xf32, #tpu.memory_space<hbm>> -> memref<11328xf32, #tpu.memory_space<hbm>>
      %dma_start3A_24 = arith.constant 0 : i32
      %dma_start3A_25 = tpu.memref_slice %arg7[%dma_start3A_24] : memref<25600xf32, #tpu.memory_space<vmem>> -> memref<11328xf32, #tpu.memory_space<vmem>>
      %dma_start3A_26 = tpu.memref_slice %arg2[%add3A_12] : memref<1000448xf32, #tpu.memory_space<hbm>> -> memref<11328xf32, #tpu.memory_space<hbm>>
      tpu.enqueue_dma source(%dma_start3A_26 : memref<11328xf32, #tpu.memory_space<hbm>>) target(%dma_start3A_25 : memref<11328xf32, #tpu.memory_space<vmem>>) target_semaphore(%run_scoped3A : memref<!tpu.dma_semaphore, #tpu.memory_space<semaphore_mem>>)
      %dma_wait3A = arith.constant 0 : i32
      %dma_wait3A_27 = tpu.memref_slice %arg7[%dma_wait3A] : memref<25600xf32, #tpu.memory_space<vmem>> -> memref<11328xf32, #tpu.memory_space<vmem>>
      %dma_wait3A_28 = tpu.memref_slice %arg2[%add3A_12] : memref<1000448xf32, #tpu.memory_space<hbm>> -> memref<11328xf32, #tpu.memory_space<hbm>>
      %dma_wait3A_29 = arith.constant 0 : i32
      %dma_wait3A_30 = tpu.memref_slice %arg7[%dma_wait3A_29] : memref<25600xf32, #tpu.memory_space<vmem>> -> memref<11328xf32, #tpu.memory_space<vmem>>
      %dma_wait3A_31 = tpu.memref_slice %arg2[%add3A_12] : memref<1000448xf32, #tpu.memory_space<hbm>> -> memref<11328xf32, #tpu.memory_space<hbm>>
      tpu.wait_dma2 semaphore(%run_scoped3A : memref<!tpu.dma_semaphore, #tpu.memory_space<semaphore_mem>>) src(%dma_wait3A_31 : memref<11328xf32, #tpu.memory_space<hbm>>) dst(%dma_wait3A_30 : memref<11328xf32, #tpu.memory_space<vmem>>)
      tpu.yield
    }) : () -> ()
    %add3A_13 = arith.constant 51200 : i32
    %add3A_14 = arith.addi %mul3A_2, %add3A_13 : i32
    "tpu.region"() ({
      %run_scoped3A = tpu.sem_alloc : memref<!tpu.dma_semaphore, #tpu.memory_space<semaphore_mem>>
      %dma_start3A = arith.constant 0 : i32
      %dma_start3A_22 = tpu.memref_slice %arg7[%dma_start3A] : memref<25600xf32, #tpu.memory_space<vmem>> -> memref<11328xf32, #tpu.memory_space<vmem>>
      %dma_start3A_23 = tpu.memref_slice %arg5[%add3A_14] : memref<1000448xf32, #tpu.memory_space<vmem_shared>> -> memref<11328xf32, #tpu.memory_space<vmem_shared>>
      %dma_start3A_24 = tpu.memref_slice %arg5[%add3A_14] : memref<1000448xf32, #tpu.memory_space<vmem_shared>> -> memref<11328xf32, #tpu.memory_space<vmem_shared>>
      %dma_start3A_25 = arith.constant 0 : i32
      %dma_start3A_26 = tpu.memref_slice %arg7[%dma_start3A_25] : memref<25600xf32, #tpu.memory_space<vmem>> -> memref<11328xf32, #tpu.memory_space<vmem>>
      tpu.enqueue_dma source(%dma_start3A_26 : memref<11328xf32, #tpu.memory_space<vmem>>) target(%dma_start3A_24 : memref<11328xf32, #tpu.memory_space<vmem_shared>>) target_semaphore(%run_scoped3A : memref<!tpu.dma_semaphore, #tpu.memory_space<semaphore_mem>>)
      %dma_wait3A = arith.constant 0 : i32
      %dma_wait3A_27 = tpu.memref_slice %arg7[%dma_wait3A] : memref<25600xf32, #tpu.memory_space<vmem>> -> memref<11328xf32, #tpu.memory_space<vmem>>
      %dma_wait3A_28 = tpu.memref_slice %arg5[%add3A_14] : memref<1000448xf32, #tpu.memory_space<vmem_shared>> -> memref<11328xf32, #tpu.memory_space<vmem_shared>>
      %dma_wait3A_29 = tpu.memref_slice %arg5[%add3A_14] : memref<1000448xf32, #tpu.memory_space<vmem_shared>> -> memref<11328xf32, #tpu.memory_space<vmem_shared>>
      %dma_wait3A_30 = arith.constant 0 : i32
      %dma_wait3A_31 = tpu.memref_slice %arg7[%dma_wait3A_30] : memref<25600xf32, #tpu.memory_space<vmem>> -> memref<11328xf32, #tpu.memory_space<vmem>>
      tpu.wait_dma2 semaphore(%run_scoped3A : memref<!tpu.dma_semaphore, #tpu.memory_space<semaphore_mem>>) src(%dma_wait3A_31 : memref<11328xf32, #tpu.memory_space<vmem>>) dst(%dma_wait3A_29 : memref<11328xf32, #tpu.memory_space<vmem_shared>>)
      tpu.yield
    }) : () -> ()
    %barrier3A = arith.constant 0 : index
    tpu.barrier barrier_id(%barrier3A)
    %scan3A = arith.constant 0 : i32
    %scan3A_15 = arith.constant 0 : i32
    %scan3A_16 = arith.constant 4 : i32
    %scan3A_17 = arith.addi %scan3A_15, %scan3A_16 : i32
    %scan3A_18 = arith.constant 1 : i32
    scf.for %scan3A_22 = %scan3A_15 to %scan3A_17 step %scan3A_18  : i32 {
      %mul3A_23 = arith.constant 800 : i32
      %mul3A_24 = arith.muli %add3A, %mul3A_23 : i32
      %mul3A_25 = arith.constant 200 : i32
      %mul3A_26 = arith.muli %scan3A_22, %mul3A_25 : i32
      %add3A_27 = arith.addi %mul3A_24, %mul3A_26 : i32
      %mul3A_28 = arith.constant 128 : i32
      %mul3A_29 = arith.muli %add3A_27, %mul3A_28 : i32
      "tpu.region"() ({
        %run_scoped3A = tpu.sem_alloc : memref<!tpu.dma_semaphore, #tpu.memory_space<semaphore_mem>>
        %dma_start3A = tpu.memref_slice %arg3[%mul3A_29] : memref<3276800xi32, #tpu.memory_space<hbm>> -> memref<25600xi32, #tpu.memory_space<hbm>>
        %dma_start3A_45 = tpu.memref_slice %arg3[%mul3A_29] : memref<3276800xi32, #tpu.memory_space<hbm>> -> memref<25600xi32, #tpu.memory_space<hbm>>
        tpu.enqueue_dma source(%dma_start3A_45 : memref<25600xi32, #tpu.memory_space<hbm>>) target(%arg6 : memref<25600xi32, #tpu.memory_space<vmem>>) target_semaphore(%run_scoped3A : memref<!tpu.dma_semaphore, #tpu.memory_space<semaphore_mem>>)
        %dma_wait3A_46 = tpu.memref_slice %arg3[%mul3A_29] : memref<3276800xi32, #tpu.memory_space<hbm>> -> memref<25600xi32, #tpu.memory_space<hbm>>
        %dma_wait3A_47 = tpu.memref_slice %arg3[%mul3A_29] : memref<3276800xi32, #tpu.memory_space<hbm>> -> memref<25600xi32, #tpu.memory_space<hbm>>
        tpu.wait_dma2 semaphore(%run_scoped3A : memref<!tpu.dma_semaphore, #tpu.memory_space<semaphore_mem>>) src(%dma_wait3A_47 : memref<25600xi32, #tpu.memory_space<hbm>>) dst(%arg6 : memref<25600xi32, #tpu.memory_space<vmem>>)
        tpu.yield
      }) : () -> ()
      %scan3A_30 = arith.constant 0 : i32
      %scan3A_31 = arith.constant 0 : i32
      %scan3A_32 = arith.constant 200 : i32
      %scan3A_33 = arith.addi %scan3A_31, %scan3A_32 : i32
      %scan3A_34 = arith.constant 1 : i32
      scf.for %scan3A_45 = %scan3A_31 to %scan3A_33 step %scan3A_34  : i32 {
        %mul3A_46 = arith.constant 128 : i32
        %mul3A_47 = arith.muli %scan3A_45, %mul3A_46 : i32
        %mul3A_48 = arith.constant 128 : i32
        %mul3A_49 = arith.muli %scan3A_45, %mul3A_48 : i32
        %dma_start3A = tpu.memref_slice %arg7[%mul3A_49] : memref<25600xf32, #tpu.memory_space<vmem>> -> memref<128xf32, #tpu.memory_space<vmem>>
        %dma_start3A_50 = tpu.memref_slice %arg6[%mul3A_47] : memref<25600xi32, #tpu.memory_space<vmem>> -> memref<128xi32, #tpu.memory_space<vmem>>
        %dma_start3A_51 = arith.constant 0 : i32
        %dma_start3A_52 = tpu.memref_slice %arg5[%dma_start3A_51] : memref<1000448xf32, #tpu.memory_space<vmem_shared>> -> memref<1000448xf32, #tpu.memory_space<vmem_shared>>
        tpu.enqueue_indirect_dma source(%dma_start3A_52 : memref<1000448xf32, #tpu.memory_space<vmem_shared>>) target(%dma_start3A : memref<128xf32, #tpu.memory_space<vmem>>) offsets(%dma_start3A_50 : memref<128xi32, #tpu.memory_space<vmem>>) semaphore(%arg9 : memref<!tpu.dma_semaphore, #tpu.memory_space<semaphore_mem>>)
      }
      %scan3A_35 = arith.constant 200 : i32
      %dma_wait3A = arith.constant 0 : i32
      %dma_wait3A_36 = tpu.memref_slice %arg2[%dma_wait3A] : memref<1000448xf32, #tpu.memory_space<hbm>> -> memref<25600xf32, #tpu.memory_space<hbm>>
      %dma_wait3A_37 = arith.constant 0 : i32
      %dma_wait3A_38 = tpu.memref_slice %arg2[%dma_wait3A_37] : memref<1000448xf32, #tpu.memory_space<hbm>> -> memref<25600xf32, #tpu.memory_space<hbm>>
      tpu.wait_dma2 semaphore(%arg9 : memref<!tpu.dma_semaphore, #tpu.memory_space<semaphore_mem>>) src(%dma_wait3A_38 : memref<25600xf32, #tpu.memory_space<hbm>>) dst(%arg7 : memref<25600xf32, #tpu.memory_space<vmem>>)
      %scan3A_39 = arith.constant 0 : i32
      %scan3A_40 = arith.constant 0 : i32
      %scan3A_41 = arith.constant 8 : i32
      %scan3A_42 = arith.addi %scan3A_40, %scan3A_41 : i32
      %scan3A_43 = arith.constant 1 : i32
      scf.for %scan3A_45 = %scan3A_40 to %scan3A_42 step %scan3A_43  : i32 {
        %mul3A_46 = arith.constant 25 : i32
        %mul3A_47 = arith.muli %scan3A_45, %mul3A_46 : i32
        %mul3A_48 = arith.constant 128 : i32
        %mul3A_49 = arith.muli %mul3A_47, %mul3A_48 : i32
        %broadcast_in_dim3A = arith.constant 0.000000e+00 : f32
        %broadcast_in_dim3A_50 = vector.broadcast %broadcast_in_dim3A : f32 to vector<16xf32>
        %scan3A_51 = arith.constant 0 : i32
        %scan3A_52 = arith.constant 25 : i32
        %scan3A_53 = arith.addi %scan3A_51, %scan3A_52 : i32
        %scan3A_54 = arith.constant 1 : i32
        %scan3A_55 = scf.for %scan3A_71 = %scan3A_51 to %scan3A_53 step %scan3A_54 iter_args(%scan3A_72 = %broadcast_in_dim3A_50) -> (vector<16xf32>)  : i32 {
          %mul3A_73 = arith.constant 128 : i32
          %mul3A_74 = arith.muli %scan3A_71, %mul3A_73 : i32
          %add3A_75 = arith.addi %mul3A_49, %mul3A_74 : i32
          %add3A_76 = arith.constant 0 : i32
          %add3A_77 = arith.addi %add3A_75, %add3A_76 : i32
          %get3A = arith.index_cast %add3A_77 : i32 to index
          %get3A_78 = tpu.vector_load %arg7[%get3A] {strides = array<i32>} : memref<25600xf32, #tpu.memory_space<vmem>>, vector<16xf32>,
          %get3A_79 = vector.shape_cast %get3A_78 : vector<16xf32> to vector<16xf32>
          %add3A_80 = arith.addf %scan3A_72, %get3A_79 : vector<16xf32>
          %add3A_81 = arith.constant 16 : i32
          %add3A_82 = arith.addi %add3A_75, %add3A_81 : i32
          %get3A_83 = arith.index_cast %add3A_82 : i32 to index
          %get3A_84 = tpu.vector_load %arg7[%get3A_83] {strides = array<i32>} : memref<25600xf32, #tpu.memory_space<vmem>>, vector<16xf32>,
          %get3A_85 = vector.shape_cast %get3A_84 : vector<16xf32> to vector<16xf32>
          %add3A_86 = arith.addf %add3A_80, %get3A_85 : vector<16xf32>
          %add3A_87 = arith.constant 32 : i32
          %add3A_88 = arith.addi %add3A_75, %add3A_87 : i32
          %get3A_89 = arith.index_cast %add3A_88 : i32 to index
          %get3A_90 = tpu.vector_load %arg7[%get3A_89] {strides = array<i32>} : memref<25600xf32, #tpu.memory_space<vmem>>, vector<16xf32>,
          %get3A_91 = vector.shape_cast %get3A_90 : vector<16xf32> to vector<16xf32>
          %add3A_92 = arith.addf %add3A_86, %get3A_91 : vector<16xf32>
          %add3A_93 = arith.constant 48 : i32
          %add3A_94 = arith.addi %add3A_75, %add3A_93 : i32
          %get3A_95 = arith.index_cast %add3A_94 : i32 to index
          %get3A_96 = tpu.vector_load %arg7[%get3A_95] {strides = array<i32>} : memref<25600xf32, #tpu.memory_space<vmem>>, vector<16xf32>,
          %get3A_97 = vector.shape_cast %get3A_96 : vector<16xf32> to vector<16xf32>
          %add3A_98 = arith.addf %add3A_92, %get3A_97 : vector<16xf32>
          %add3A_99 = arith.constant 64 : i32
          %add3A_100 = arith.addi %add3A_75, %add3A_99 : i32
          %get3A_101 = arith.index_cast %add3A_100 : i32 to index
          %get3A_102 = tpu.vector_load %arg7[%get3A_101] {strides = array<i32>} : memref<25600xf32, #tpu.memory_space<vmem>>, vector<16xf32>,
          %get3A_103 = vector.shape_cast %get3A_102 : vector<16xf32> to vector<16xf32>
          %add3A_104 = arith.addf %add3A_98, %get3A_103 : vector<16xf32>
          %add3A_105 = arith.constant 80 : i32
          %add3A_106 = arith.addi %add3A_75, %add3A_105 : i32
          %get3A_107 = arith.index_cast %add3A_106 : i32 to index
          %get3A_108 = tpu.vector_load %arg7[%get3A_107] {strides = array<i32>} : memref<25600xf32, #tpu.memory_space<vmem>>, vector<16xf32>,
          %get3A_109 = vector.shape_cast %get3A_108 : vector<16xf32> to vector<16xf32>
          %add3A_110 = arith.addf %add3A_104, %get3A_109 : vector<16xf32>
          %add3A_111 = arith.constant 96 : i32
          %add3A_112 = arith.addi %add3A_75, %add3A_111 : i32
          %get3A_113 = arith.index_cast %add3A_112 : i32 to index
          %get3A_114 = tpu.vector_load %arg7[%get3A_113] {strides = array<i32>} : memref<25600xf32, #tpu.memory_space<vmem>>, vector<16xf32>,
          %get3A_115 = vector.shape_cast %get3A_114 : vector<16xf32> to vector<16xf32>
          %add3A_116 = arith.addf %add3A_110, %get3A_115 : vector<16xf32>
          %add3A_117 = arith.constant 112 : i32
          %add3A_118 = arith.addi %add3A_75, %add3A_117 : i32
          %get3A_119 = arith.index_cast %add3A_118 : i32 to index
          %get3A_120 = tpu.vector_load %arg7[%get3A_119] {strides = array<i32>} : memref<25600xf32, #tpu.memory_space<vmem>>, vector<16xf32>,
          %get3A_121 = vector.shape_cast %get3A_120 : vector<16xf32> to vector<16xf32>
          %add3A_122 = arith.addf %add3A_116, %get3A_121 : vector<16xf32>
          scf.yield %add3A_122 : vector<16xf32>
        }
        %scan3A_56 = arith.constant 25 : i32
        %neg3A = arith.constant 0.000000e+00 : f32
        %neg3A_57 = vector.broadcast %neg3A : f32 to vector<16xf32>
        %neg3A_58 = arith.subf %neg3A_57, %scan3A_55 : vector<16xf32>
        %exp3A = math.exp %neg3A_58 : vector<16xf32>
        %add3A_59 = arith.constant 1.000000e+00 : f32
        %add3A_60 = vector.broadcast %add3A_59 : f32 to vector<16xf32>
        %add3A_61 = arith.addf %add3A_60, %exp3A : vector<16xf32>
        %div3A = arith.constant 1.000000e+00 : f32
        %div3A_62 = vector.broadcast %div3A : f32 to vector<16xf32>
        %div3A_63 = arith.divf %div3A_62, %add3A_61 : vector<16xf32>
        %mul3A_64 = arith.constant 8 : i32
        %mul3A_65 = arith.muli %scan3A_22, %mul3A_64 : i32
        %add3A_66 = arith.addi %mul3A_65, %scan3A_45 : i32
        %swap3A = arith.index_cast %add3A_66 : i32 to index
        %swap3A_67 = arith.constant 0 : index
        %swap3A_68 = tpu.vector_load %arg8[%swap3A, %swap3A_67] {strides = array<i32>} : memref<32x16xf32, #tpu.memory_space<vmem>>, vector<1x16xf32>,
        %swap3A_69 = vector.shape_cast %swap3A_68 : vector<1x16xf32> to vector<16xf32>
        %swap3A_70 = vector.shape_cast %div3A_63 : vector<16xf32> to vector<1x16xf32>
        tpu.vector_store %arg8[%swap3A, %swap3A_67], %swap3A_70 {strides = array<i32>} : memref<32x16xf32, #tpu.memory_space<vmem>>, vector<1x16xf32>,
      }
      %scan3A_44 = arith.constant 8 : i32
    }
    %scan3A_19 = arith.constant 4 : i32
    %mul3A_20 = arith.constant 32 : i32
    %mul3A_21 = arith.muli %add3A, %mul3A_20 : i32
    "tpu.region"() ({
      %run_scoped3A = tpu.sem_alloc : memref<!tpu.dma_semaphore, #tpu.memory_space<semaphore_mem>>
      %dma_start3A = arith.constant 0 : i32
      %dma_start3A_22 = tpu.memref_slice %arg4[%mul3A_21, %dma_start3A] : memref<1024x16xf32, #tpu.memory_space<hbm>> -> memref<32x16xf32, #tpu.memory_space<hbm>>
      %dma_start3A_23 = arith.constant 0 : i32
      %dma_start3A_24 = tpu.memref_slice %arg4[%mul3A_21, %dma_start3A_23] : memref<1024x16xf32, #tpu.memory_space<hbm>> -> memref<32x16xf32, #tpu.memory_space<hbm>>
      tpu.enqueue_dma source(%arg8 : memref<32x16xf32, #tpu.memory_space<vmem>>) target(%dma_start3A_24 : memref<32x16xf32, #tpu.memory_space<hbm>>) target_semaphore(%run_scoped3A : memref<!tpu.dma_semaphore, #tpu.memory_space<semaphore_mem>>)
      %dma_wait3A = arith.constant 0 : i32
      %dma_wait3A_25 = tpu.memref_slice %arg4[%mul3A_21, %dma_wait3A] : memref<1024x16xf32, #tpu.memory_space<hbm>> -> memref<32x16xf32, #tpu.memory_space<hbm>>
      %dma_wait3A_26 = arith.constant 0 : i32
      %dma_wait3A_27 = tpu.memref_slice %arg4[%mul3A_21, %dma_wait3A_26] : memref<1024x16xf32, #tpu.memory_space<hbm>> -> memref<32x16xf32, #tpu.memory_space<hbm>>
      tpu.wait_dma2 semaphore(%run_scoped3A : memref<!tpu.dma_semaphore, #tpu.memory_space<semaphore_mem>>) src(%arg8 : memref<32x16xf32, #tpu.memory_space<vmem>>) dst(%dma_wait3A_27 : memref<32x16xf32, #tpu.memory_space<hbm>>)
      tpu.yield
    }) : () -> ()
    return
  }
}

module attributes {stable_mosaic.version = 14 : i64} {
  func.func @_tv_body(%arg0: i32, %arg1: memref<5000x128xf32, #tpu.memory_space<vmem>>, %arg2: memref<128x8xf32, #tpu.memory_space<vmem>>, %arg3: memref<1x1xf32, #tpu.memory_space<smem>>, %arg4: memref<5000x8xf32, #tpu.memory_space<vmem>>) attributes {dimension_semantics = [#tpu.dimension_semantics<arbitrary>], iteration_bounds = array<i64: 25>, scalar_prefetch = 0 : i64, scratch_operands = 0 : i64, tpu.core_type = #tpu.core_type<tc>, window_params = [{transform_indices = @transform_0, window_bounds = array<i64: 5000, 128>}, {pipeline_mode = #tpu.pipeline_mode<synchronous>, transform_indices = @transform_1, window_bounds = array<i64: 128, 8>}, {transform_indices = @transform_2, window_bounds = array<i64: 1, 1>}, {transform_indices = @transform_3, window_bounds = array<i64: 5000, 8>}]} {
    %get3A = arith.constant 0 : index
    %get3A_0 = arith.constant 0 : index
    %get3A_1 = vector.load %arg1[%get3A, %get3A_0] : memref<5000x128xf32, #tpu.memory_space<vmem>>, vector<5000x128xf32>
    %get3A_2 = arith.constant 0 : index
    %get3A_3 = arith.constant 0 : index
    %get3A_4 = vector.load %arg2[%get3A_2, %get3A_3] : memref<128x8xf32, #tpu.memory_space<vmem>>, vector<128x8xf32>
    %dot_general3A = arith.constant dense<0.000000e+00> : vector<5000x8xf32>
    %dot_general3A_5 = tpu.matmul %get3A_1, %get3A_4, %dot_general3A {dimension_numbers = #tpu.dot_dimension_numbers<[1], [0], [0], [1], [0, 0, 1, 1], [], []>, transpose_lhs_hint = false} : vector<5000x128xf32>, vector<128x8xf32>, vector<5000x8xf32> -> vector<5000x8xf32>
    %get3A_6 = arith.constant 0 : index
    %get3A_7 = arith.constant 0 : index
    %get3A_8 = memref.load %arg3[%get3A_6, %get3A_7] : memref<1x1xf32, #tpu.memory_space<smem>>
    %add3A = vector.broadcast %get3A_8 : f32 to vector<5000x8xf32>
    %add3A_9 = arith.addf %dot_general3A_5, %add3A : vector<5000x8xf32>
    %mul3A = arith.constant 5.000000e-03 : f32
    %mul3A_10 = vector.broadcast %mul3A : f32 to vector<5000x8xf32>
    %mul3A_11 = arith.mulf %add3A_9, %mul3A_10 : vector<5000x8xf32>
    %swap3A = arith.constant 0 : index
    %swap3A_12 = arith.constant 0 : index
    %swap3A_13 = vector.load %arg4[%swap3A, %swap3A_12] : memref<5000x8xf32, #tpu.memory_space<vmem>>, vector<5000x8xf32>
    tpu.vector_store %arg4[%swap3A, %swap3A_12], %mul3A_11 {strides = array<i32>} : memref<5000x8xf32, #tpu.memory_space<vmem>>, vector<5000x8xf32>,
    return
  }
  func.func @transform_0(%arg0: i32) -> (i32, i32) {
    %c0_i32 = arith.constant 0 : i32
    %c0_i32_0 = arith.constant 0 : i32
    return %arg0, %c0_i32 : i32, i32
  }
  func.func @transform_1(%arg0: i32) -> (i32, i32) {
    %c0_i32 = arith.constant 0 : i32
    %c0_i32_0 = arith.constant 0 : i32
    %c0_i32_1 = arith.constant 0 : i32
    return %c0_i32, %c0_i32_0 : i32, i32
  }
  func.func @transform_2(%arg0: i32) -> (i32, i32) {
    %c0_i32 = arith.constant 0 : i32
    %c0_i32_0 = arith.constant 0 : i32
    %c0_i32_1 = arith.constant 0 : i32
    return %c0_i32, %c0_i32_0 : i32, i32
  }
  func.func @transform_3(%arg0: i32) -> (i32, i32) {
    %c0_i32 = arith.constant 0 : i32
    %c0_i32_0 = arith.constant 0 : i32
    return %arg0, %c0_i32 : i32, i32
  }
}

</mosaic_0001>

<sc_bundles>
// kernel: kernel.4.cloned.1.call-start
scs
__scs_entry_jumppad:
0x0: {  	(pc) =	sbr.rel $0x88, $3  }
0x1: {  	(tag) =	ssettag $0x0;
	lr =	simm.s32 $0x1  }
0x2: {  	[smem:$0x3F9D] =	sst lr;
	_ =	strace $0xD0000000  }
0x3: {  	_ = 	snop  }
0x4: {  	_ = 	snop  }
0x5: {  	_ = 	snop  }
0x6: {  	_ = 	snop  }
0x7: {  	_ = 	snop  }
__scs_overlays_trampoline_lowered:
0x8: {  	[smem:$0x3FAC] =	sst s0  }
0x9: {  	[smem:$0x3FAD] =	sst s1  }
0xa: {  	[smem:$0x3FAE] =	sst s2  }
0xb: {  	[smem:$0x3FAF] =	sst s3  }
0xc: {  	[smem:$0x3FB0] =	sst s4  }
0xd: {  	[smem:$0x3FB1] =	sst s5  }
0xe: {  	[smem:$0x3FB2] =	sst s6  }
0xf: {  	[smem:$0x3FB3] =	sst s7  }
0x10: {  	[smem:$0x3FB4] =	sst s8  }
0x11: {  	[smem:$0x3FB5] =	sst s9;
	s0 =	simm.s32 @!p0 $0x0  }
0x12: {  	s1 =	sld [smem:$0x3F9B];
	s0 =	simm.s32 @p0 $0x1  }
0x13: {  	[smem:$0x3FB6] =	sst s0;
	s0 =	simm.s32 @!p1 $0x0  }
0x14: {  	s2 =	sld [smem:$0x3F9A];
	s0 =	simm.s32 @p1 $0x1  }
0x15: {  	[smem:$0x3FB7] =	sst s0;
	s0 =	simm.s32 @!p2 $0x0  }
0x16: {  	s3 =	sld [smem:$0x3FDB];
	s0 =	simm.s32 @p2 $0x1  }
0x17: {  	s4 =	simm.s32 $0x1BF5;
	[smem:$0x3FB9] =	sst s0  }
0x18: {  	s0 =	sld [smem:$0x3F9C];
	_ =	swait.ge [sflag:s4], $0x0  }
0x19: {  	s7 =	sld [smem:$0x3F9D]  }
0x1a: {  	s8 =	sadd.s32 $0xFFFFE003, lr  }
0x1b: {  	s9 =	sadd.s32 $0xFFFFFEF7, lr;
	s5 =	simm.s32 $0xFFFFFFFF;
	p2 =	slt.u32 s8, $0xFFFFF086  }
0x1c: {  	p1 =	slt.u32 s9, $0xF7A;
	s5 =	simm.s32 @!p2 $0x0  }
0x1d: {  	s5 =	simm.s32 @p1 $0x1;
	p0 =	seq.s32 s7, s2  }
0x1e: {  	s7 =	smul.u32 @!p0 $0xF7A, s2;
	p2 =	seq.s32 @!p0 s5, $0x0  }
0x1f: {  	s9 =	smul.u32 $0xF7A, s1;
	s8 =	simm.s32 @!p0 $0x1BF5;
	p2 =	por !p2, p0  }
0x20: {  	[sflag:s8] =	ssyncset.s32 @!p0 $0xFFFFF086;
	s6 =	sadd.s32 @!p0 s3, s7;
	s7 =	simm.s32 @!p0 $0x108  }
0x21: {  	s3 =	sadd.s32 s3, s9;
	s6 =	sadd.s32 @!p0 $0x88, s6;
	s7 =	simm.s32 @p2 $0x1082  }
0x22: {  	[simem:s7], [sflag:s8] =	dma.local @!p0 [hbm:s6], $0xF7A  }
0x23: {  	s9 =	sor.u32 $0xD0000000, s2;
	s6 =	simm.s32 $0x108;
	_ =	swait.ge @!p0 [sflag:s8], $0x0  }
0x24: {  	s3 =	sadd.s32 $0x88, s3;
	s6 =	simm.s32 @!p1 $0x1082;
	[sflag:s4] =	ssyncset.s32 $0xFFFFF086  }
0x25: {  	[simem:s6], [sflag:s4] =	dma.local [hbm:s3], $0xF7A  }
0x26: {  	[smem:$0x3F9D] =	sst s1;
	(tag) =	ssettag s2;
	_ =	strace s9  }
0x27: {  	s1 =	sld [smem:$0x3FAD]  }
0x28: {  	s2 =	sld [smem:$0x3FAE]  }
0x29: {  	s4 =	sld [smem:$0x3FB0]  }
0x2a: {  	p0 =	seq.s32 s5, $0x0;
	s5 =	sld [smem:$0x3FB1]  }
0x2b: {  	s6 =	sld [smem:$0x3FB2]  }
0x2c: {  	s7 =	sld [smem:$0x3FB3]  }
0x2d: {  	s3 =	simm.s32 $0x108;
	s8 =	sld [smem:$0x3FB4]  }
0x2e: {  	s3 =	simm.s32 @!p0 $0x1082;
	s9 =	sld [smem:$0x3FB5]  }
0x2f: {  	lr =	sadd.s32 s0, s3;
	s0 =	sld [smem:$0x3FAC]  }
0x30: {  	s3 =	sld [smem:$0x3FAF]  }
0x31: {  	[smem:$0x3FB8] =	sst s10  }
0x32: {  	s10 =	sld [smem:$0x3FB6];
	_ =	sdelay $0x3  }
0x33: {  	p0 =	seq.s32 s10, $0x1;
	s10 =	sld [smem:$0x3FB8];
	_ =	sdelay $0x3  }
0x34: {  	[smem:$0x3FB8] =	sst s10  }
0x35: {  	s10 =	sld [smem:$0x3FB7];
	_ =	sdelay $0x3  }
0x36: {  	p1 =	seq.s32 s10, $0x1;
	s10 =	sld [smem:$0x3FB8];
	_ =	sdelay $0x3  }
0x37: {  	[smem:$0x3FB8] =	sst s10  }
0x38: {  	s10 =	sld [smem:$0x3FB9]  }
0x39: {  	_ = 	snop;
	(pc) =	sbr.ind lr, $3  }
0x3a: {  	_ = 	snop  }
0x3b: {  	_ = 	snop  }
0x3c: {  	p2 =	seq.s32 s10, $0x1;
	s10 =	sld [smem:$0x3FB8]  }
0x3d: {  	_ =	shalt  }
0x3e: {  	_ =	shalt  }
0x3f: {  	_ =	shalt  }
0x40: {  	_ =	shalt  }
0x41: {  	_ =	shalt  }
0x42: {  	_ =	shalt  }
0x43: {  	_ =	shalt  }
0x44: {  	_ =	shalt  }
0x45: {  	_ =	shalt  }
0x46: {  	_ =	shalt  }
0x47: {  	_ =	shalt  }
0x48: {  	_ =	shalt  }
0x49: {  	_ =	shalt  }
0x4a: {  	_ =	shalt  }
0x4b: {  	_ =	shalt  }
0x4c: {  	_ =	shalt  }
0x4d: {  	_ =	shalt  }
0x4e: {  	_ =	shalt  }
0x4f: {  	_ =	shalt  }
0x50: {  	_ =	shalt  }
0x51: {  	_ =	shalt  }
0x52: {  	_ =	shalt  }
0x53: {  	_ =	shalt  }
0x54: {  	_ =	shalt  }
0x55: {  	_ =	shalt  }
0x56: {  	_ =	shalt  }
0x57: {  	_ =	shalt  }
0x58: {  	_ =	shalt  }
0x59: {  	_ =	shalt  }
0x5a: {  	_ =	shalt  }
0x5b: {  	_ =	shalt  }
0x5c: {  	_ =	shalt  }
0x5d: {  	_ =	shalt  }
0x5e: {  	_ =	shalt  }
0x5f: {  	_ =	shalt  }
0x60: {  	_ =	shalt  }
0x61: {  	_ =	shalt  }
0x62: {  	_ =	shalt  }
0x63: {  	_ =	shalt  }
0x64: {  	_ =	shalt  }
0x65: {  	_ =	shalt  }
0x66: {  	_ =	shalt  }
0x67: {  	_ =	shalt  }
0x68: {  	_ =	shalt  }
0x69: {  	_ =	shalt  }
0x6a: {  	_ =	shalt  }
0x6b: {  	_ =	shalt  }
0x6c: {  	_ =	shalt  }
0x6d: {  	_ =	shalt  }
0x6e: {  	_ =	shalt  }
0x6f: {  	_ =	shalt  }
0x70: {  	_ =	shalt  }
0x71: {  	_ =	shalt  }
0x72: {  	_ =	shalt  }
0x73: {  	_ =	shalt  }
0x74: {  	_ =	shalt  }
0x75: {  	_ =	shalt  }
0x76: {  	_ =	shalt  }
0x77: {  	_ =	shalt  }
0x78: {  	_ =	shalt  }
0x79: {  	_ =	shalt  }
0x7a: {  	_ =	shalt  }
0x7b: {  	_ =	shalt  }
0x7c: {  	_ =	shalt  }
0x7d: {  	_ =	shalt  }
0x7e: {  	_ =	shalt  }
0x7f: {  	_ =	shalt  }
0x80: {  	_ =	shalt  }
0x81: {  	_ =	shalt  }
0x82: {  	_ =	shalt  }
0x83: {  	_ =	shalt  }
0x84: {  	_ =	shalt  }
0x85: {  	_ =	shalt  }
0x86: {  	_ =	shalt  }
0x87: {  	_ =	shalt  }
.Lfunc_end0:
.L_simem_size_0:
called_computation_lowered:
.L_overlay_start_0:
0x88: {  	s2 =	sld [smem:$0x3FD9]  }
0x89: {  	s3 =	sld [smem:$0x3FFE];
	_ =	sdelay $0x1  }
0x8a: {  	s1 =	srdreg.scid  }
0x8b: {  	s0 =	sand.u32 $0x1, s1  }
0x8c: {  	s16 =	sshll.u32 s0, $0xA;
	s2 =	sadd.s32 s3, s2  }
0x8d: {  	s2 =	sadd.s32 s2, s16  }
0x8e: {  	[smem:$0x3FC4] =	sst s2  }
0x8f: {  	_ = 	snop  }
0x90: {  	(tm) =	ssettm $0x1  }
0x91: {  	s17 =	sld [smem:$0x3FFB];
	_ =	sdelay $0x3  }
0x92: {  	_ =	strace s17  }
0x93: {  	s2 =	sld [smem:$0x3FFC];
	_ =	sdelay $0x3  }
0x94: {  	_ =	strace s2  }
0x95: {  	s2 =	sld [smem:$0x3FFD];
	_ =	sdelay $0x3  }
0x96: {  	_ =	strace s2  }
0x97: {  	_ =	strace $0x8FFFFFFF  }
0x98: {  	s18 =	sld [smem:$0x3FDB];
	_ =	sdelay $0x1  }
0x99: {  	s19 =	simm.s32 $_scs_section_size  }
0x9a: {  	s4 =	simm.s32 $_size__tile_overlayer_lowered;
	s5 =	simm.s32 $_tile_overlayer_lowered  }
0x9b: {  	s22 =	simm.s32 $0x1BFF;
	s21 =	sshll.u32 s5, $0x1;
	s2 =	sadd.s32 s19, s18  }
0x9c: {  	s6 =	simm.s32 $0x0;
	s20 =	sshll.u32 s4, $0x1;
	s4 =	sadd.s32 s21, s2  }
0x9d: {  	[timem:s6], [sflag:s22] =	dma.local [hbm:s4], s20  }
0x9e: {  	_ =	swait.ge [sflag:s22], s20  }
0x9f: {  	s3 =	ssub.s32 $0x0, s20;
	[sflag:s22] =	ssyncset.done $0x0  }
0xa0: {  	[sflag:s22] =	ssyncadd.s32 s3;
	_ =	sdelay $0x1  }
0xa1: {  	s23 =	simm.s32 $0x1B8B  }
0xa2: {  	_ =	swait.ge [sflag:s23], $0x1  }
0xa3: {  	[sflag:s23] =	ssyncset.done $0x0  }
0xa4: {  	s25 =	simm.s32 $0x1B8E;
	s24 =	sld [smem:$0x3FFE];
	[sflag:s23] =	ssyncadd.s32 $0xFFFFFFFF  }
0xa5: {  	s26 =	simm.s32 $execute0_lowered;
	[smem:$0x3FD2] =	sst s25  }
0xa6: {  	s4 =	sshll.u32 s26, $0x1;
	_ =	strace $0x80000046;
	[dreg:$0x1] =	wrdreg $0xFFFFFFFF  }
0xa7: {  	s28 =	simm.s32 $_size_execute0_lowered;
	s2 =	sadd.s32 s2, s4;
	[dreg:$0x0] =	wrdreg $0x0  }
0xa8: {  	s4 =	sshll.u32 s28, $0x1;
	[dreg:$0x2] =	wrdreg s2  }
0xa9: {  	[dreg:$0x3] =	wrdreg s4  }
0xaa: {  	[dreg:$0x4] =	wrdreg $0xC0  }
0xab: {  	_ =	task [dreg:s6], $0x5FFFF  }
0xac: {  	[dreg:$0x1] =	wrdreg $0xFFFFFFFF  }
0xad: {  	[dreg:$0x0] =	wrdreg $0x60  }
0xae: {  	[dreg:$0x2] =	wrdreg s24  }
0xaf: {  	[dreg:$0x3] =	wrdreg $0x0  }
0xb0: {  	[dreg:$0x4] =	wrdreg $0x9  }
0xb1: {  	_ =	task.clear_ibuf [dreg:s6], $0x5FFFF;
	_ =	strace $0x90000046  }
0xb2: {  	s29 =	simm.s32 $0x9;
	_ =	strace $0x80000048  }
0xb3: {  	_ =	swait.ge [sflag:s29], $0x1  }
0xb4: {  	[sflag:s29] =	ssyncadd.s32 $0xFFFFFFFF  }
0xb5: {  	_ =	strace $0x90000048  }
0xb6: {  	_ =	sfence  }
0xb7: {  	s30 =	sld [smem:$0x0];
	_ =	sdelay $0x2  }
0xb8: {  	s31 =	sshll.u32 s1, $0xD;
	s1 =	sshrl.u32 s1, $0x2  }
0xb9: {  	s3 =	sand.u32 $0x4000, s31;
	s1 =	sadd.s32 s1, s30  }
0xba: {  	s0 =	sor.u32 s3, s0;
	s1 =	sshll.u32 s1, $0x11  }
0xbb: {  	s0 =	sor.u32 s1, s0  }
0xbc: {  	s0 =	sadd.s32 $0x8F2B, s0  }
0xbd: {  	[sflag:s0] =	ssyncadd.remote.s32 $0x1  }
0xbe: {  	_ =	sfence.sel $0xFFFF  }
0xbf: {  	[dreg:$0x0] =	wrdreg $0xFFFFFFFF;
	(pc) =	sbr.abs _section_cstart, $3  }
0xc0: {  	[dreg:$0x1] =	wrdreg $0xFFFFFFFF  }
0xc1: {  	_ =	task.clear_ibuf [dreg:s6], $0x2FFFF;
	_ =	strace $0x9FFFFFFF  }
0xc2: {  	(tm) =	ssettm $0x7FFFFFFF  }
0xc3: {  	_ =	shalt  }
tec
execute0_lowered:
.L_overlay_start_1:
0x0: {  	(tag) =	ssettag $0x1  }
0x1: {  	s5 =	rddreg [dreg:$0x0]  }
0x2: {  	s1 =	rddreg [dreg:$0x1]  }
0x3: {  	s0 =	rddreg [dreg:$0x2];
	s3 =	simm.s32 $0x0  }
0x4: {  	s4 =	srdreg.scid;
	s2 =	stileid.u32;
	s15 =	simm.s32 $0x2  }
0x5: {  	s16 =	simm.s32 $0xF440;
	s17 =	simm.s32 $0x80;
	s18 =	simm.s32 $0x1  }
0x6: {  	s19 =	simm.s32 $0x1BC40;
	s20 =	simm.s32 $0x0;
	[smem:$0x7FF] =	sst s3  }
0x7: {  	s6 =	sand.u32 $0x1, s4;
	s26 =	sshll.u32 s2, $0x1;
	s9 =	sadd.s32 $0x1EA200, s5  }
0x8: {  	s7 =	smul.u32 $0xF440, s2;
	s4 =	sadd.s32 $0x1800, s5;
	s11 =	sor.u32 s6, s26  }
0x9: {  	_ =	strace $0x80000047;
	s6 =	ssub.s32 $0x2, s6;
	s8 =	sshll.u32 s11, $0x9  }
0xa: {  	s28 =	sshrl.u32 s6, $0x1;
	s29 =	sshrl.u32 s7, $0x3;
	s30 =	sadd.s32 $0x6400, s7  }
0xb: {  	s14 =	sadd.s32 $0xC800, s7;
	s11 =	smul.u32 $0x320, s11;
	s12 =	sadd.s32 s8, s5  }
0xc: {  	s13 =	ssub.s32 s6, s28;
	s5 =	sadd.s32 s9, s29;
	s6 =	sadd.s32 s7, s1  }
0xd: {  	s10 =	sshrl.u32 s30, $0x3;
	s8 =	sadd.s32 s30, s1;
	s31 =	sshrl.u32 s14, $0x3  }
0xe: {  	s7 =	sadd.s32 s9, s10;
	s9 =	sadd.s32 s9, s31;
	s10 =	sadd.s32 s14, s1  }
0xf: {  	s12 =	sadd.s32 $0x65800, s12;
	s13 =	smax.u32 s13, $0x1;
	s14 =	simm.s32 $0x15840  }
.LBB2_1:
0x10: {  	[tilespmem:s14], [sflag:$0x2] =	stream.linear.gather [hbm4b:s5+s3], $0x6400, $0x38;
	[tilespmem:$0x1CC40] =	vst v63  }
0x11: {  	_ =	swait.ge [sflag:s15], $0x6400  }
0x12: {  	[sflag:s15] =	ssyncset.done $0x0  }
0x13: {  	[sflag:s15] =	ssyncadd.s32 $0xFFFF9C00  }
0x14: {  	[spmem:s6] =	stream.linear.scatter [tilespmem:s14], [sflag:$0x2], $0x6400, $0x38;
	[tilespmem:$0x1CC40] =	vst v63  }
0x15: {  	_ =	swait.ge [sflag:s15], $0x6400  }
0x16: {  	[sflag:s15] =	ssyncset.done $0x0  }
0x17: {  	[sflag:s15] =	ssyncadd.s32 $0xFFFF9C00  }
0x18: {  	[tilespmem:s14], [sflag:$0x2] =	stream.linear.gather [hbm4b:s7+s3], $0x6400, $0x38;
	[tilespmem:$0x1CC40] =	vst v63  }
0x19: {  	_ =	swait.ge [sflag:s15], $0x6400  }
0x1a: {  	[sflag:s15] =	ssyncset.done $0x0  }
0x1b: {  	[sflag:s15] =	ssyncadd.s32 $0xFFFF9C00  }
0x1c: {  	[spmem:s8] =	stream.linear.scatter [tilespmem:s14], [sflag:$0x2], $0x6400, $0x38;
	[tilespmem:$0x1CC40] =	vst v63  }
0x1d: {  	_ =	swait.ge [sflag:s15], $0x6400  }
0x1e: {  	[sflag:s15] =	ssyncset.done $0x0  }
0x1f: {  	[sflag:s15] =	ssyncadd.s32 $0xFFFF9C00  }
0x20: {  	[tilespmem:s14], [sflag:$0x2] =	stream.linear.gather [hbm4b:s9+s3], $0x2C40, $0x38;
	[tilespmem:$0x1CC40] =	vst v63  }
0x21: {  	_ =	swait.ge [sflag:s15], $0x2C40  }
0x22: {  	[sflag:s15] =	ssyncset.done $0x0  }
0x23: {  	[sflag:s15] =	ssyncadd.s32 $0xFFFFD3C0  }
0x24: {  	[spmem:s10] =	stream.linear.scatter [tilespmem:s14], [sflag:$0x2], $0x2C40, $0x38;
	[tilespmem:$0x1CC40] =	vst v63  }
0x25: {  	_ =	swait.ge [sflag:s15], $0x2C40  }
0x26: {  	[sflag:s15] =	ssyncset.done $0x0  }
0x27: {  	[sflag:s15] =	ssyncadd.s32 $0xFFFFD3C0  }
0x28: {  	s21 =	simm.s32 $0x0;
	[bflag:$0x0] =	sbarrier.arrive $0xFFFF  }
.LBB2_2:
0x29: {  	s22 =	smul.u32 $0xC8, s21;
	_ =	sdelay $0x1  }
0x2a: {  	s22 =	sadd.s32 s11, s22  }
0x2b: {  	s22 =	sshll.u32 s22, $0x4  }
0x2c: {  	s23 =	simm.s32 $0x0;
	s22 =	sadd.s32 s4, s22  }
0x2d: {  	[tilespmem:s16], [sflag:$0x2] =	stream.linear.gather [hbm4b:s22+s23], $0x6400, $0x38;
	[tilespmem:$0x1CC40] =	vst v63  }
0x2e: {  	_ =	swait.ge [sflag:s15], $0x6400  }
0x2f: {  	s24 =	simm.s32 $0xF440;
	[sflag:s15] =	ssyncset.done $0x0  }
0x30: {  	s22 =	simm.s32 $0x200;
	s23 =	simm.s32 $0x15840;
	[sflag:s15] =	ssyncadd.s32 $0xFFFF9C00  }
.LBB2_3:
0x31: {  	[tilespmem:s23], [sflag:$0x1] =	stream.indirect.gather [spmem:s1], $0x1, s24, s17, $0xb8;
	[tilespmem:$0x1CC40] =	vst v63  }
0x32: {  	s23 =	smov.u32 s22;
	p0 =	sne.s32 s22, $0x18E00  }
.Ltmp0:
0x33: {  	s22 =	sadd.s32 $0x200, s22;
	(pc) =	sbr.rel @p0 .LBB2_3-.Ltmp0, $3  }
0x34: {  	_ =	sdelay $0x1  }
0x35: {  	s24 =	sshra.s32 s23, $0x2  }
0x36: {  	s23 =	sadd.s32 $0x15840, s24;
	s24 =	sadd.s32 $0xF440, s24  }
0x37: {  	[tilespmem:s23], [sflag:$0x1] =	stream.indirect.gather [spmem:s1], $0x1, s24, s17, $0xb8;
	[tilespmem:$0x1CC40] =	vst v63  }
0x38: {  	s22 =	sshll.u32 s21, $0xA  }
0x39: {  	_ =	swait.ge [sflag:s18], $0x6400;
	s22 =	sand.u32 $0x3FFFFC00, s22  }
0x3a: {  	[sflag:s18] =	ssyncset.done $0x0;
	s31 =	sadd.s32 $0x1BC40, s22  }
0x3b: {  	s23 =	simm.s32 $0x15880;
	s22 =	simm.s32 $0x0;
	[sflag:s18] =	ssyncadd.s32 $0xFFFF9C00;
	v0 =	vmov s31  }
.LBB2_5:
0x3c: {  	v1 =	vmov s23;
	_ =	sdelay $0x3  }
0x3d: {  	s24 =	simm.s32 $0x0  }
0x3e: {  	v2 =	vld.idx.msk [tilespmem:v1+s24+$0xFFFFFFC0 ss:$0x1], $0xffff;
	_ =	sdelay $0x1  }
0x3f: {  	v3 =	vld.idx.msk [tilespmem:v1+s24+$0xFFFFFFD0 ss:$0x1], $0xffff;
	_ =	sdelay $0x1  }
0x40: {  	v4 =	vimm.f32 $0.0e+00;
	v5 =	vld.idx.msk [tilespmem:v1+s24+$0xFFFFFFE0 ss:$0x1], $0xffff  }
0x41: {  	v2 =	vadd.f32 v2, v4  }
0x42: {  	v4 =	vld.idx.msk [tilespmem:v1+s24+$0xFFFFFFF0 ss:$0x1], $0xffff  }
0x43: {  	v2 =	vadd.f32 v3, v2  }
0x44: {  	v6 =	vld.idx.msk [tilespmem:v1+s24+$0x0 ss:$0x1], $0xffff  }
0x45: {  	v3 =	vadd.f32 v5, v2  }
0x46: {  	v2 =	vld.idx.msk [tilespmem:v1+s24+$0x10 ss:$0x1], $0xffff  }
0x47: {  	v4 =	vadd.f32 v4, v3  }
0x48: {  	v3 =	vld.idx.msk [tilespmem:v1+s24+$0x20 ss:$0x1], $0xffff  }
0x49: {  	v5 =	vadd.f32 v6, v4  }
0x4a: {  	s25 =	simm.s32 $0x400;
	v4 =	vld.idx.msk [tilespmem:v1+s24+$0x30 ss:$0x1], $0xffff;
	s24 =	simm.s32 $0x80  }
.LBB2_6:
0x4b: {  	p0 =	sne.s32 s25, $0x3000;
	v6 =	vld.idx.msk [tilespmem:v1+s24+$0xFFFFFFC0 ss:$0x1], $0xffff;
	v2 =	vadd.f32 v2, v5;
	_ =	sdelay $0x1  }
0x4c: {  	v5 =	vld.idx.msk [tilespmem:v1+s24+$0xFFFFFFD0 ss:$0x1], $0xffff;
	v2 =	vadd.f32 v3, v2;
	_ =	sdelay $0x1  }
0x4d: {  	v3 =	vld.idx.msk [tilespmem:v1+s24+$0xFFFFFFE0 ss:$0x1], $0xffff;
	v2 =	vadd.f32 v4, v2;
	_ =	sdelay $0x1  }
0x4e: {  	v2 =	vadd.f32 v6, v2;
	v4 =	vld.idx.msk [tilespmem:v1+s24+$0xFFFFFFF0 ss:$0x1], $0xffff;
	_ =	sdelay $0x1  }
0x4f: {  	v2 =	vadd.f32 v5, v2;
	v5 =	vld.idx.msk [tilespmem:v1+s24+$0x0 ss:$0x1], $0xffff;
	_ =	sdelay $0x1  }
0x50: {  	v3 =	vadd.f32 v3, v2;
	v2 =	vld.idx.msk [tilespmem:v1+s24+$0x10 ss:$0x1], $0xffff  }
.Ltmp1:
0x51: {  	(pc) =	sbr.rel @p0 .LBB2_6-.Ltmp1, $3  }
0x52: {  	v4 =	vadd.f32 v4, v3;
	v3 =	vld.idx.msk [tilespmem:v1+s24+$0x20 ss:$0x1], $0xffff;
	_ =	sdelay $0x1  }
0x53: {  	v5 =	vadd.f32 v5, v4;
	v4 =	vld.idx.msk [tilespmem:v1+s24+$0x30 ss:$0x1], $0xffff  }
0x54: {  	s24 =	sshra.s32 s25, $0x2;
	s25 =	sadd.s32 $0x200, s25  }
0x55: {  	_ =	sdelay $0x2  }
0x56: {  	v2 =	vadd.f32 v2, v5  }
0x57: {  	v59 =	vld.idx.msk [tilespmem:v1+s24+$0xFFFFFFC0 ss:$0x1], $0xffff  }
0x58: {  	v2 =	vadd.f32 v3, v2  }
0x59: {  	v3 =	vld.idx.msk [tilespmem:v1+s24+$0xFFFFFFD0 ss:$0x1], $0xffff  }
0x5a: {  	v2 =	vadd.f32 v4, v2  }
0x5b: {  	v60 =	vld.idx.msk [tilespmem:v1+s24+$0xFFFFFFE0 ss:$0x1], $0xffff  }
0x5c: {  	v2 =	vadd.f32 v59, v2  }
0x5d: {  	v61 =	vld.idx.msk [tilespmem:v1+s24+$0xFFFFFFF0 ss:$0x1], $0xffff  }
0x5e: {  	v2 =	vadd.f32 v3, v2  }
0x5f: {  	v3 =	vld.idx.msk [tilespmem:v1+s24+$0x0 ss:$0x1], $0xffff  }
0x60: {  	v2 =	vadd.f32 v60, v2  }
0x61: {  	v62 =	vld.idx.msk [tilespmem:v1+s24+$0x10 ss:$0x1], $0xffff  }
0x62: {  	v2 =	vadd.f32 v61, v2  }
0x63: {  	v63 =	vld.idx.msk [tilespmem:v1+s24+$0x20 ss:$0x1], $0xffff  }
0x64: {  	v2 =	vadd.f32 v3, v2  }
0x65: {  	v1 =	vld.idx.msk [tilespmem:v1+s24+$0x30 ss:$0x1], $0xffff  }
0x66: {  	v2 =	vadd.f32 v62, v2;
	_ =	sdelay $0x1  }
0x67: {  	v2 =	vadd.f32 v63, v2;
	_ =	sdelay $0x1  }
0x68: {  	v1 =	vadd.f32 v1, v2;
	_ =	sdelay $0x1  }
0x69: {  	v1 =	vsub.f32 $0.0e+00, v1;
	_ =	sdelay $0x1  }
0x6a: {  	v1 =	vmul.f32 $1.442695020e+00, v1;
	_ =	sdelay $0x1  }
0x6b: {  	(erf) = vpow2.f32 v1;
	_ =	sdelay $0x8  }
0x6c: {  	v1 =	vpop (erf)  }
0x6d: {  	v1 =	vadd.f32 $1.000000000e+00, v1;
	_ =	sdelay $0x1  }
0x6e: {  	(erf) = vrcp.f32 v1;
	_ =	sdelay $0x3  }
0x6f: {  	s31 =	sshll.u32 s22, $0x7;
	s22 =	sadd.s32 $0x1, s22  }
0x70: {  	p0 =	sne.s32 s22, $0x8  }
.Ltmp2:
0x71: {  	_ = 	snop;
	(pc) =	sbr.rel @p0 .LBB2_5-.Ltmp2, $3  }
0x72: {  	_ =	sdelay $0x1  }
0x73: {  	s24 =	sand.u32 $0x3FFFFF80, s31;
	v1 =	vpop (erf)  }
0x74: {  	s23 =	sadd.s32 $0xC80, s23;
	[tilespmem:v0+s24+$0x0 ss:$0x1] =	vst.idx.msk $0xffff, v1  }
0x75: {  	s21 =	sadd.s32 $0x1, s21  }
0x76: {  	p0 =	sne.s32 s21, $0x4  }
.Ltmp3:
0x77: {  	_ = 	snop;
	(pc) =	sbr.rel @p0 .LBB2_2-.Ltmp3, $1  }
0x78: {  	_ =	sdelay $0x3  }
0x79: {  	s20 =	sadd.s32 $0x1, s20  }
0x7a: {  	p0 =	sne.s32 s20, s13  }
.Ltmp4:
0x7b: {  	_ = 	snop;
	(pc) =	sbr.rel @p0 .LBB2_1-.Ltmp4, $4  }
0x7c: {  	[hbm4b:s12+s3] =	stream.linear.scatter [tilespmem:s19], [sflag:$0x2], $0x1000, $0x38;
	[tilespmem:$0x1CC40] =	vst v63  }
0x7d: {  	_ =	swait.ge [sflag:s15], $0x1000  }
0x7e: {  	[sflag:s15] =	ssyncset.done $0x0  }
0x7f: {  	[sflag:s15] =	ssyncadd.s32 $0xFFFFF000  }
0x80: {  	_ =	sfence.sel $0x180000  }
0x81: {  	[bflag:$0x0] =	sbarrier.arrive $0xFFFF  }
0x82: {  	p0 =	sne.s32 s2, $0x0;
	_ =	strace $0x90000047  }
0x83: {  	s0 =	sadd.s32 @!p0 $0x100000, s0;
	[bflag:$0x2] =	sbarrier.arrive $0xFFFF  }
0x84: {  	[sflag:s0] =	ssyncadd.tile.s32 @!p0 $0x1;
	_ =	shalt  }
.Lfunc_end2:
_tile_overlayer_lowered:
.L_overlay_start_2:
0x85: {  	(tag) =	ssettag $0x2  }
0x86: {  	s0 =	rddreg [dreg:$0x0];
	s2 =	stileid.u32  }
0x87: {  	s1 =	rddreg [dreg:$0x1];
	p0 =	sne.s32 s2, $0x0  }
0x88: {  	s3 =	rddreg [dreg:$0x2];
	[bflag:$0x3] =	sbarrier.arrive $0xFFFF;
	s2 =	simm.s32 @!p0 $0x1C02  }
0x89: {  	[timem:s3], [sflag:s2] =	dma.local @!p0 [hbm:s0], s1  }
0x8a: {  	s0 =	simm.s32 @!p0 $0x2  }
0x8b: {  	_ =	swait.ge @!p0 [sflag:s0], s1  }
0x8c: {  	s1 =	ssub.s32 @!p0 $0x0, s1;
	[sflag:s0] =	ssyncset.done @!p0 $0x0  }
0x8d: {  	[sflag:s0] =	ssyncadd.s32 @!p0 s1  }
0x8e: {  	[bflag:$0x3] =	sbarrier.arrive $0xFFFF  }
0x8f: {  	_ =	shalt  }

</sc_bundles>
